<compile_context>
chip_gen: v7x
topology: tpu7x:2x2x1
jax: 0.10.2.dev20260603
libtpu: 0.0.44.dev20260713+nightly
codegen_flags: <defaults>
</compile_context>

<pallas_src>
import functools

import jax
import jax.numpy as jnp
import numpy as np
from jax import lax
from jax.experimental import pallas as pl
from jax.experimental.pallas import tpu as pltpu
from jax.experimental.pallas import tpu_sc as plsc

N_ROIS = 20000
LANES = 16
NUM_WORKERS = 16
PER_W = 1280
N_PAD = NUM_WORKERS * PER_W
TAIL = N_ROIS - 15 * PER_W
CHUNKS = PER_W // LANES

_T3 = np.uint32(0x45C3FFFF).view(np.float32)
_T4 = np.uint32(0x46C3FFFB).view(np.float32)
_T5 = np.uint32(0x47C40004).view(np.float32)

_mesh = plsc.VectorSubcoreMesh(
    core_axis_name="c", subcore_axis_name="s", num_cores=1
)


@functools.partial(
    pl.kernel,
    out_type=(
        jax.ShapeDtypeStruct((N_ROIS,), jnp.int32),
        jax.ShapeDtypeStruct((4,), jnp.int32),
    ),
    mesh=_mesh,
    scratch_types=(
        pltpu.VMEM((4, PER_W), jnp.float32),
        pltpu.VMEM((PER_W,), jnp.int32),
        pltpu.VMEM((LANES,), jnp.int32),
        pltpu.SMEM((4,), jnp.int32),
        pltpu.SemaphoreType.DMA,
    ),
)
def _roi_levels_kernel(coords_hbm, lvl_hbm, cnt_hbm,
                       coords_v, lvl_v, cnt_v, cnt_smem, in_sem):
    wid = lax.axis_index("s")
    base = wid * PER_W
    in_copy = pltpu.async_copy(coords_hbm.at[:, pl.ds(base, PER_W)],
                               coords_v, in_sem)

    @pl.when(wid == 0)
    def _():
        cnt_smem[0] = 0
        cnt_smem[1] = 0
        cnt_smem[2] = 0

    plsc.subcore_barrier()
    in_copy.wait()

    zero = jnp.zeros((LANES,), jnp.int32)
    one = jnp.ones((LANES,), jnp.int32)
    two = jnp.full((LANES,), 2, jnp.int32)
    t3 = jnp.full((LANES,), _T3, jnp.float32)
    t4 = jnp.full((LANES,), _T4, jnp.float32)
    t5 = jnp.full((LANES,), _T5, jnp.float32)

    def body(j, carry):
        a1, a2, a3 = carry
        off = j * LANES
        x1 = coords_v[0, pl.ds(off, LANES)]
        y1 = coords_v[1, pl.ds(off, LANES)]
        x2 = coords_v[2, pl.ds(off, LANES)]
        y2 = coords_v[3, pl.ds(off, LANES)]
        area = (x2 - x1) * (y2 - y1)
        g3 = jnp.where(area >= t3, one, zero)
        g4 = jnp.where(area >= t4, one, zero)
        g5 = jnp.where(area >= t5, one, zero)
        lvl_v[pl.ds(off, LANES)] = two + g3 + g4 + g5
        return a1 + g3, a2 + g4, a3 + g5

    a1, a2, a3 = lax.fori_loop(0, CHUNKS, body, (zero, zero, zero))

    @pl.when(wid < 15)
    def _():
        pltpu.sync_copy(lvl_v, lvl_hbm.at[pl.ds(base, PER_W)])

    @pl.when(wid == 15)
    def _():
        pltpu.sync_copy(lvl_v.at[pl.ds(0, TAIL)],
                        lvl_hbm.at[pl.ds(base, TAIL)])

    def lanesum(v):
        c = v[0]
        for i in range(1, LANES):
            c = c + v[i]
        return c

    plsc.fetch_and_add(cnt_smem.at[0], lanesum(a1), subcore_id=0)
    plsc.fetch_and_add(cnt_smem.at[1], lanesum(a2), subcore_id=0)
    plsc.fetch_and_add(cnt_smem.at[2], lanesum(a3), subcore_id=0)
    plsc.subcore_barrier()

    @pl.when(wid == 0)
    def _():
        c3 = cnt_smem[0]
        c4 = cnt_smem[1]
        c5 = cnt_smem[2]
        lane = lax.iota(jnp.int32, LANES)
        counts = jnp.where(
            lane == 0, jnp.broadcast_to(N_ROIS - c3, (LANES,)),
            jnp.where(lane == 1, jnp.broadcast_to(c3 - c4, (LANES,)),
                      jnp.where(lane == 2, jnp.broadcast_to(c4 - c5, (LANES,)),
                                jnp.where(lane == 3,
                                          jnp.broadcast_to(c5, (LANES,)),
                                          jnp.zeros((LANES,), jnp.int32)))))
        cnt_v[...] = counts
        pltpu.sync_copy(cnt_v.at[pl.ds(0, 4)], cnt_hbm)


def kernel(fm_p2, fm_p3, fm_p4, fm_p5, rois, batch_indices):
    del fm_p2, fm_p3, fm_p4, fm_p5
    coords = jnp.zeros((4, N_PAD), jnp.float32).at[:, :N_ROIS].set(
        rois.astype(jnp.float32).T)
    lvl, counts = _roi_levels_kernel(coords)
    return lvl, counts, batch_indices

# --- scband reference (transcript-rebuilt; emitter-appended) ---
"""Pipeline reference for scband-roialign-64785286693437 (READ-ONLY COPY).

The authoritative reference and input builder live on the scoring server;
editing this copy changes nothing except your own understanding.
"""

import jax, jax.numpy as jnp
import numpy as np

N_ROIS = 20000
IMG = 1024.0
NUM_LEVELS = 4  # P2..P5, strides [4, 8, 16, 32]


def setup_inputs(seed: int = 0) -> dict:
    key = jax.random.key(seed)
    k1, k2, k3, k4, k5, k6 = jax.random.split(key, 6)
    # ROIs: sample two corner points per box and order them so x2>=x1, y2>=y1.
    pts = jax.random.uniform(k1, (N_ROIS, 2, 2), minval=0.0, maxval=IMG - 2.0)
    lo = jnp.min(pts, axis=1)
    hi = jnp.max(pts, axis=1)
    rois = jnp.stack([lo[:, 0], lo[:, 1], hi[:, 0] + 1.0, hi[:, 1] + 1.0], axis=1).astype(jnp.float32)
    batch_indices = jax.random.randint(k2, (N_ROIS,), 0, 8, dtype=jnp.int64)
    # FPN feature maps, each [H, W, C] per the layer's docstring.
    fm_p2 = jax.random.normal(k3, (256, 256, 256), dtype=jnp.float32)
    fm_p3 = jax.random.normal(k4, (128, 128, 256), dtype=jnp.float32)
    fm_p4 = jax.random.normal(k5, (64, 64, 256), dtype=jnp.float32)
    fm_p5 = jax.random.normal(k6, (32, 32, 256), dtype=jnp.float32)
    return {
        "fm_p2": fm_p2,
        "fm_p3": fm_p3,
        "fm_p4": fm_p4,
        "fm_p5": fm_p5,
        "rois": rois,
        "batch_indices": batch_indices,
    }


def reference(fm_p2, fm_p3, fm_p4, fm_p5, rois, batch_indices):
    # Faithful translation of ROIAlign.call. Note: the original module never
    # computes actual pooled features (features = None); it computes FPN level
    # assignment per ROI, builds per-level boolean masks/gathers (the loop body
    # only tf.print's shapes), and returns (None, batch_indices). Here we return
    # the computed level assignment, the per-level ROI counts (the jittable
    # analogue of the printed per-level shapes), and batch_indices.
    x1, y1, x2, y2 = jnp.split(rois, 4, axis=1)
    roi_h = y2 - y1
    roi_w = x2 - x1
    roi_area = roi_h * roi_w
    roi_levels = jnp.log(jnp.sqrt(roi_area) / 224.0) / jnp.log(2.0) + 4.0
    roi_levels = jnp.squeeze(roi_levels, axis=1)
    roi_levels_int = jnp.clip(jnp.round(roi_levels).astype(jnp.int32), 2, 5)
    counts = []
    for i in range(NUM_LEVELS):
        level = i + 2
        mask = jnp.equal(roi_levels_int, level)
        counts.append(jnp.sum(mask.astype(jnp.int32)))
    level_counts = jnp.stack(counts)
    return (roi_levels_int, level_counts, batch_indices)

if __name__ == "__main__":
    import jax
    _d = setup_inputs()
    print(jax.jit(kernel)(*tuple(_d.values())))

</pallas_src>

<mosaic_0001>
#map = affine_map<(d0, d1) -> (0, 0)>
#map1 = affine_map<(d0, d1) -> (0)>
module attributes {stable_mosaic.version = 14 : i64} {
  func.func @_roi_levels_kernel(%arg0: i32, %arg1: i32, %arg2: memref<4x20480xf32, #tpu.memory_space<hbm>>, %arg3: memref<20000xi32, #tpu.memory_space<hbm>>, %arg4: memref<4xi32, #tpu.memory_space<hbm>>, %arg5: memref<4x1280xf32, #tpu.memory_space<vmem>>, %arg6: memref<1280xi32, #tpu.memory_space<vmem>>, %arg7: memref<16xi32, #tpu.memory_space<vmem>>, %arg8: memref<4xi32, #tpu.memory_space<smem>>, %arg9: memref<!tpu.dma_semaphore, #tpu.memory_space<semaphore_mem>>) attributes {dimension_semantics = [#tpu.dimension_semantics<core_parallel>, #tpu.dimension_semantics<subcore_parallel>], iteration_bounds = array<i64: 1, 16>, scalar_prefetch = 0 : i64, scratch_operands = 5 : i64, tpu.core_type = #tpu.core_type<sc_vector_subcore>, window_params = [{transform_indices = #map}, {transform_indices = #map1}, {transform_indices = #map1}]} {
    %mul3A = arith.constant 1280 : i32
    %mul3A_0 = arith.muli %arg1, %mul3A : i32
    %dma_start3A = arith.constant 0 : i32
    %dma_start3A_1 = tpu.memref_slice %arg2[%dma_start3A, %mul3A_0] : memref<4x20480xf32, #tpu.memory_space<hbm>> -> memref<4x1280xf32, #tpu.memory_space<hbm>>
    %dma_start3A_2 = arith.constant 0 : i32
    %dma_start3A_3 = tpu.memref_slice %arg2[%dma_start3A_2, %mul3A_0] : memref<4x20480xf32, #tpu.memory_space<hbm>> -> memref<4x1280xf32, #tpu.memory_space<hbm>>
    tpu.enqueue_dma source(%dma_start3A_3 : memref<4x1280xf32, #tpu.memory_space<hbm>>) target(%arg5 : memref<4x1280xf32, #tpu.memory_space<vmem>>) target_semaphore(%arg9 : memref<!tpu.dma_semaphore, #tpu.memory_space<semaphore_mem>>)
    %eq3A = arith.constant 0 : i32
    %eq3A_4 = arith.cmpi eq, %arg1, %eq3A : i32
    %convert_element_type3A = arith.extui %eq3A_4 : i1 to i32
    %cond3A = arith.constant 0 : i32
    %cond3A_5 = arith.cmpi ne, %convert_element_type3A, %cond3A : i32
    scf.if %cond3A_5 {
      %swap3A = arith.constant 0 : i32
      %swap3A_186 = arith.constant 0 : i32
      %swap3A_187 = arith.index_cast %swap3A_186 : i32 to index
      %swap3A_188 = memref.load %arg8[%swap3A_187] : memref<4xi32, #tpu.memory_space<smem>>
      memref.store %swap3A, %arg8[%swap3A_187] : memref<4xi32, #tpu.memory_space<smem>>
      %swap3A_189 = arith.constant 0 : i32
      %swap3A_190 = arith.constant 1 : i32
      %swap3A_191 = arith.index_cast %swap3A_190 : i32 to index
      %swap3A_192 = memref.load %arg8[%swap3A_191] : memref<4xi32, #tpu.memory_space<smem>>
      memref.store %swap3A_189, %arg8[%swap3A_191] : memref<4xi32, #tpu.memory_space<smem>>
      %swap3A_193 = arith.constant 0 : i32
      %swap3A_194 = arith.constant 2 : i32
      %swap3A_195 = arith.index_cast %swap3A_194 : i32 to index
      %swap3A_196 = memref.load %arg8[%swap3A_195] : memref<4xi32, #tpu.memory_space<smem>>
      memref.store %swap3A_193, %arg8[%swap3A_195] : memref<4xi32, #tpu.memory_space<smem>>
    } else {
    }
    %barrier3A = arith.constant 0 : index
    tpu.barrier barrier_id(%barrier3A)
    %dma_wait3A = arith.constant 0 : i32
    %dma_wait3A_6 = tpu.memref_slice %arg2[%dma_wait3A, %mul3A_0] : memref<4x20480xf32, #tpu.memory_space<hbm>> -> memref<4x1280xf32, #tpu.memory_space<hbm>>
    %dma_wait3A_7 = arith.constant 0 : i32
    %dma_wait3A_8 = tpu.memref_slice %arg2[%dma_wait3A_7, %mul3A_0] : memref<4x20480xf32, #tpu.memory_space<hbm>> -> memref<4x1280xf32, #tpu.memory_space<hbm>>
    tpu.wait_dma2 semaphore(%arg9 : memref<!tpu.dma_semaphore, #tpu.memory_space<semaphore_mem>>) src(%dma_wait3A_8 : memref<4x1280xf32, #tpu.memory_space<hbm>>) dst(%arg5 : memref<4x1280xf32, #tpu.memory_space<vmem>>)
    %broadcast_in_dim3A = arith.constant 0 : i32
    %broadcast_in_dim3A_9 = vector.broadcast %broadcast_in_dim3A : i32 to vector<16xi32>
    %broadcast_in_dim3A_10 = arith.constant 1 : i32
    %broadcast_in_dim3A_11 = vector.broadcast %broadcast_in_dim3A_10 : i32 to vector<16xi32>
    %broadcast_in_dim3A_12 = arith.constant 2 : i32
    %broadcast_in_dim3A_13 = vector.broadcast %broadcast_in_dim3A_12 : i32 to vector<16xi32>
    %broadcast_in_dim3A_14 = arith.constant 6271.99951 : f32
    %broadcast_in_dim3A_15 = vector.broadcast %broadcast_in_dim3A_14 : f32 to vector<16xf32>
    %broadcast_in_dim3A_16 = arith.constant 25087.9902 : f32
    %broadcast_in_dim3A_17 = vector.broadcast %broadcast_in_dim3A_16 : f32 to vector<16xf32>
    %broadcast_in_dim3A_18 = arith.constant 100352.031 : f32
    %broadcast_in_dim3A_19 = vector.broadcast %broadcast_in_dim3A_18 : f32 to vector<16xf32>
    %scan3A = arith.constant 0 : i32
    %scan3A_20 = arith.constant 80 : i32
    %scan3A_21 = arith.addi %scan3A, %scan3A_20 : i32
    %scan3A_22 = arith.constant 1 : i32
    %scan3A_23:3 = scf.for %scan3A_186 = %scan3A to %scan3A_21 step %scan3A_22 iter_args(%scan3A_187 = %broadcast_in_dim3A_9, %scan3A_188 = %broadcast_in_dim3A_9, %scan3A_189 = %broadcast_in_dim3A_9) -> (vector<16xi32>, vector<16xi32>, vector<16xi32>)  : i32 {
      %mul3A_190 = arith.constant 16 : i32
      %mul3A_191 = arith.muli %scan3A_186, %mul3A_190 : i32
      %get3A = arith.constant 0 : i32
      %get3A_192 = arith.index_cast %get3A : i32 to index
      %get3A_193 = arith.index_cast %mul3A_191 : i32 to index
      %get3A_194 = tpu.vector_load %arg5[%get3A_192, %get3A_193] {strides = array<i32>} : memref<4x1280xf32, #tpu.memory_space<vmem>>, vector<1x16xf32>,
      %get3A_195 = vector.shape_cast %get3A_194 : vector<1x16xf32> to vector<16xf32>
      %get3A_196 = arith.constant 1 : i32
      %get3A_197 = arith.index_cast %get3A_196 : i32 to index
      %get3A_198 = arith.index_cast %mul3A_191 : i32 to index
      %get3A_199 = tpu.vector_load %arg5[%get3A_197, %get3A_198] {strides = array<i32>} : memref<4x1280xf32, #tpu.memory_space<vmem>>, vector<1x16xf32>,
      %get3A_200 = vector.shape_cast %get3A_199 : vector<1x16xf32> to vector<16xf32>
      %get3A_201 = arith.constant 2 : i32
      %get3A_202 = arith.index_cast %get3A_201 : i32 to index
      %get3A_203 = arith.index_cast %mul3A_191 : i32 to index
      %get3A_204 = tpu.vector_load %arg5[%get3A_202, %get3A_203] {strides = array<i32>} : memref<4x1280xf32, #tpu.memory_space<vmem>>, vector<1x16xf32>,
      %get3A_205 = vector.shape_cast %get3A_204 : vector<1x16xf32> to vector<16xf32>
      %get3A_206 = arith.constant 3 : i32
      %get3A_207 = arith.index_cast %get3A_206 : i32 to index
      %get3A_208 = arith.index_cast %mul3A_191 : i32 to index
      %get3A_209 = tpu.vector_load %arg5[%get3A_207, %get3A_208] {strides = array<i32>} : memref<4x1280xf32, #tpu.memory_space<vmem>>, vector<1x16xf32>,
      %get3A_210 = vector.shape_cast %get3A_209 : vector<1x16xf32> to vector<16xf32>
      %sub3A = arith.subf %get3A_205, %get3A_195 : vector<16xf32>
      %sub3A_211 = arith.subf %get3A_210, %get3A_200 : vector<16xf32>
      %mul3A_212 = arith.mulf %sub3A, %sub3A_211 : vector<16xf32>
      %ge3A = arith.cmpf oge, %mul3A_212, %broadcast_in_dim3A_15 : vector<16xf32>
      %select_n3A = arith.select %ge3A, %broadcast_in_dim3A_11, %broadcast_in_dim3A_9 : vector<16xi1>, vector<16xi32>
      %ge3A_213 = arith.cmpf oge, %mul3A_212, %broadcast_in_dim3A_17 : vector<16xf32>
      %select_n3A_214 = arith.select %ge3A_213, %broadcast_in_dim3A_11, %broadcast_in_dim3A_9 : vector<16xi1>, vector<16xi32>
      %ge3A_215 = arith.cmpf oge, %mul3A_212, %broadcast_in_dim3A_19 : vector<16xf32>
      %select_n3A_216 = arith.select %ge3A_215, %broadcast_in_dim3A_11, %broadcast_in_dim3A_9 : vector<16xi1>, vector<16xi32>
      %add3A_217 = arith.addi %broadcast_in_dim3A_13, %select_n3A : vector<16xi32>
      %add3A_218 = arith.addi %add3A_217, %select_n3A_214 : vector<16xi32>
      %add3A_219 = arith.addi %add3A_218, %select_n3A_216 : vector<16xi32>
      %swap3A = arith.index_cast %mul3A_191 : i32 to index
      %swap3A_220 = tpu.vector_load %arg6[%swap3A] {strides = array<i32>} : memref<1280xi32, #tpu.memory_space<vmem>>, vector<16xi32>,
      %swap3A_221 = vector.shape_cast %swap3A_220 : vector<16xi32> to vector<16xi32>
      %swap3A_222 = vector.shape_cast %add3A_219 : vector<16xi32> to vector<16xi32>
      tpu.vector_store %arg6[%swap3A], %swap3A_222 {strides = array<i32>} : memref<1280xi32, #tpu.memory_space<vmem>>, vector<16xi32>,
      %add3A_223 = arith.addi %scan3A_187, %select_n3A : vector<16xi32>
      %add3A_224 = arith.addi %scan3A_188, %select_n3A_214 : vector<16xi32>
      %add3A_225 = arith.addi %scan3A_189, %select_n3A_216 : vector<16xi32>
      scf.yield %add3A_223, %add3A_224, %add3A_225 : vector<16xi32>, vector<16xi32>, vector<16xi32>
    }
    %scan3A_24 = arith.constant 80 : i32
    %lt3A = arith.constant 15 : i32
    %lt3A_25 = arith.cmpi slt, %arg1, %lt3A : i32
    %convert_element_type3A_26 = arith.extui %lt3A_25 : i1 to i32
    %cond3A_27 = arith.constant 0 : i32
    %cond3A_28 = arith.cmpi ne, %convert_element_type3A_26, %cond3A_27 : i32
    scf.if %cond3A_28 {
      "tpu.region"() ({
        %run_scoped3A = tpu.sem_alloc : memref<!tpu.dma_semaphore, #tpu.memory_space<semaphore_mem>>
        %dma_start3A_186 = tpu.memref_slice %arg3[%mul3A_0] : memref<20000xi32, #tpu.memory_space<hbm>> -> memref<1280xi32, #tpu.memory_space<hbm>>
        %dma_start3A_187 = tpu.memref_slice %arg3[%mul3A_0] : memref<20000xi32, #tpu.memory_space<hbm>> -> memref<1280xi32, #tpu.memory_space<hbm>>
        tpu.enqueue_dma source(%arg6 : memref<1280xi32, #tpu.memory_space<vmem>>) target(%dma_start3A_187 : memref<1280xi32, #tpu.memory_space<hbm>>) target_semaphore(%run_scoped3A : memref<!tpu.dma_semaphore, #tpu.memory_space<semaphore_mem>>)
        %dma_wait3A_188 = tpu.memref_slice %arg3[%mul3A_0] : memref<20000xi32, #tpu.memory_space<hbm>> -> memref<1280xi32, #tpu.memory_space<hbm>>
        %dma_wait3A_189 = tpu.memref_slice %arg3[%mul3A_0] : memref<20000xi32, #tpu.memory_space<hbm>> -> memref<1280xi32, #tpu.memory_space<hbm>>
        tpu.wait_dma2 semaphore(%run_scoped3A : memref<!tpu.dma_semaphore, #tpu.memory_space<semaphore_mem>>) src(%arg6 : memref<1280xi32, #tpu.memory_space<vmem>>) dst(%dma_wait3A_189 : memref<1280xi32, #tpu.memory_space<hbm>>)
        tpu.yield
      }) : () -> ()
    } else {
    }
    %eq3A_29 = arith.constant 15 : i32
    %eq3A_30 = arith.cmpi eq, %arg1, %eq3A_29 : i32
    %convert_element_type3A_31 = arith.extui %eq3A_30 : i1 to i32
    %cond3A_32 = arith.constant 0 : i32
    %cond3A_33 = arith.cmpi ne, %convert_element_type3A_31, %cond3A_32 : i32
    scf.if %cond3A_33 {
      "tpu.region"() ({
        %run_scoped3A = tpu.sem_alloc : memref<!tpu.dma_semaphore, #tpu.memory_space<semaphore_mem>>
        %dma_start3A_186 = arith.constant 0 : i32
        %dma_start3A_187 = tpu.memref_slice %arg6[%dma_start3A_186] : memref<1280xi32, #tpu.memory_space<vmem>> -> memref<800xi32, #tpu.memory_space<vmem>>
        %dma_start3A_188 = tpu.memref_slice %arg3[%mul3A_0] : memref<20000xi32, #tpu.memory_space<hbm>> -> memref<800xi32, #tpu.memory_space<hbm>>
        %dma_start3A_189 = tpu.memref_slice %arg3[%mul3A_0] : memref<20000xi32, #tpu.memory_space<hbm>> -> memref<800xi32, #tpu.memory_space<hbm>>
        %dma_start3A_190 = arith.constant 0 : i32
        %dma_start3A_191 = tpu.memref_slice %arg6[%dma_start3A_190] : memref<1280xi32, #tpu.memory_space<vmem>> -> memref<800xi32, #tpu.memory_space<vmem>>
        tpu.enqueue_dma source(%dma_start3A_191 : memref<800xi32, #tpu.memory_space<vmem>>) target(%dma_start3A_189 : memref<800xi32, #tpu.memory_space<hbm>>) target_semaphore(%run_scoped3A : memref<!tpu.dma_semaphore, #tpu.memory_space<semaphore_mem>>)
        %dma_wait3A_192 = arith.constant 0 : i32
        %dma_wait3A_193 = tpu.memref_slice %arg6[%dma_wait3A_192] : memref<1280xi32, #tpu.memory_space<vmem>> -> memref<800xi32, #tpu.memory_space<vmem>>
        %dma_wait3A_194 = tpu.memref_slice %arg3[%mul3A_0] : memref<20000xi32, #tpu.memory_space<hbm>> -> memref<800xi32, #tpu.memory_space<hbm>>
        %dma_wait3A_195 = tpu.memref_slice %arg3[%mul3A_0] : memref<20000xi32, #tpu.memory_space<hbm>> -> memref<800xi32, #tpu.memory_space<hbm>>
        %dma_wait3A_196 = arith.constant 0 : i32
        %dma_wait3A_197 = tpu.memref_slice %arg6[%dma_wait3A_196] : memref<1280xi32, #tpu.memory_space<vmem>> -> memref<800xi32, #tpu.memory_space<vmem>>
        tpu.wait_dma2 semaphore(%run_scoped3A : memref<!tpu.dma_semaphore, #tpu.memory_space<semaphore_mem>>) src(%dma_wait3A_197 : memref<800xi32, #tpu.memory_space<vmem>>) dst(%dma_wait3A_195 : memref<800xi32, #tpu.memory_space<hbm>>)
        tpu.yield
      }) : () -> ()
    } else {
    }
    %slice3A = vector.extract_strided_slice %scan3A_23#0 {offsets = [0], sizes = [1], strides = [1]} : vector<16xi32> to vector<1xi32>
    %squeeze3A = vector.extract %slice3A[0] : i32 from vector<1xi32>
    %slice3A_34 = vector.extract_strided_slice %scan3A_23#0 {offsets = [1], sizes = [1], strides = [1]} : vector<16xi32> to vector<1xi32>
    %squeeze3A_35 = vector.extract %slice3A_34[0] : i32 from vector<1xi32>
    %add3A = arith.addi %squeeze3A, %squeeze3A_35 : i32
    %slice3A_36 = vector.extract_strided_slice %scan3A_23#0 {offsets = [2], sizes = [1], strides = [1]} : vector<16xi32> to vector<1xi32>
    %squeeze3A_37 = vector.extract %slice3A_36[0] : i32 from vector<1xi32>
    %add3A_38 = arith.addi %add3A, %squeeze3A_37 : i32
    %slice3A_39 = vector.extract_strided_slice %scan3A_23#0 {offsets = [3], sizes = [1], strides = [1]} : vector<16xi32> to vector<1xi32>
    %squeeze3A_40 = vector.extract %slice3A_39[0] : i32 from vector<1xi32>
    %add3A_41 = arith.addi %add3A_38, %squeeze3A_40 : i32
    %slice3A_42 = vector.extract_strided_slice %scan3A_23#0 {offsets = [4], sizes = [1], strides = [1]} : vector<16xi32> to vector<1xi32>
    %squeeze3A_43 = vector.extract %slice3A_42[0] : i32 from vector<1xi32>
    %add3A_44 = arith.addi %add3A_41, %squeeze3A_43 : i32
    %slice3A_45 = vector.extract_strided_slice %scan3A_23#0 {offsets = [5], sizes = [1], strides = [1]} : vector<16xi32> to vector<1xi32>
    %squeeze3A_46 = vector.extract %slice3A_45[0] : i32 from vector<1xi32>
    %add3A_47 = arith.addi %add3A_44, %squeeze3A_46 : i32
    %slice3A_48 = vector.extract_strided_slice %scan3A_23#0 {offsets = [6], sizes = [1], strides = [1]} : vector<16xi32> to vector<1xi32>
    %squeeze3A_49 = vector.extract %slice3A_48[0] : i32 from vector<1xi32>
    %add3A_50 = arith.addi %add3A_47, %squeeze3A_49 : i32
    %slice3A_51 = vector.extract_strided_slice %scan3A_23#0 {offsets = [7], sizes = [1], strides = [1]} : vector<16xi32> to vector<1xi32>
    %squeeze3A_52 = vector.extract %slice3A_51[0] : i32 from vector<1xi32>
    %add3A_53 = arith.addi %add3A_50, %squeeze3A_52 : i32
    %slice3A_54 = vector.extract_strided_slice %scan3A_23#0 {offsets = [8], sizes = [1], strides = [1]} : vector<16xi32> to vector<1xi32>
    %squeeze3A_55 = vector.extract %slice3A_54[0] : i32 from vector<1xi32>
    %add3A_56 = arith.addi %add3A_53, %squeeze3A_55 : i32
    %slice3A_57 = vector.extract_strided_slice %scan3A_23#0 {offsets = [9], sizes = [1], strides = [1]} : vector<16xi32> to vector<1xi32>
    %squeeze3A_58 = vector.extract %slice3A_57[0] : i32 from vector<1xi32>
    %add3A_59 = arith.addi %add3A_56, %squeeze3A_58 : i32
    %slice3A_60 = vector.extract_strided_slice %scan3A_23#0 {offsets = [10], sizes = [1], strides = [1]} : vector<16xi32> to vector<1xi32>
    %squeeze3A_61 = vector.extract %slice3A_60[0] : i32 from vector<1xi32>
    %add3A_62 = arith.addi %add3A_59, %squeeze3A_61 : i32
    %slice3A_63 = vector.extract_strided_slice %scan3A_23#0 {offsets = [11], sizes = [1], strides = [1]} : vector<16xi32> to vector<1xi32>
    %squeeze3A_64 = vector.extract %slice3A_63[0] : i32 from vector<1xi32>
    %add3A_65 = arith.addi %add3A_62, %squeeze3A_64 : i32
    %slice3A_66 = vector.extract_strided_slice %scan3A_23#0 {offsets = [12], sizes = [1], strides = [1]} : vector<16xi32> to vector<1xi32>
    %squeeze3A_67 = vector.extract %slice3A_66[0] : i32 from vector<1xi32>
    %add3A_68 = arith.addi %add3A_65, %squeeze3A_67 : i32
    %slice3A_69 = vector.extract_strided_slice %scan3A_23#0 {offsets = [13], sizes = [1], strides = [1]} : vector<16xi32> to vector<1xi32>
    %squeeze3A_70 = vector.extract %slice3A_69[0] : i32 from vector<1xi32>
    %add3A_71 = arith.addi %add3A_68, %squeeze3A_70 : i32
    %slice3A_72 = vector.extract_strided_slice %scan3A_23#0 {offsets = [14], sizes = [1], strides = [1]} : vector<16xi32> to vector<1xi32>
    %squeeze3A_73 = vector.extract %slice3A_72[0] : i32 from vector<1xi32>
    %add3A_74 = arith.addi %add3A_71, %squeeze3A_73 : i32
    %slice3A_75 = vector.extract_strided_slice %scan3A_23#0 {offsets = [15], sizes = [1], strides = [1]} : vector<16xi32> to vector<1xi32>
    %squeeze3A_76 = vector.extract %slice3A_75[0] : i32 from vector<1xi32>
    %add3A_77 = arith.addi %add3A_74, %squeeze3A_76 : i32
    %sc_fetch_and_add3A = arith.constant 0 : i32
    %sc_fetch_and_add3A_78 = arith.constant 0 : i32
    %sc_fetch_and_add3A_79 = tpu.fetch_and_add_sync %arg8[%sc_fetch_and_add3A], %add3A_77, %sc_fetch_and_add3A_78 : memref<4xi32, #tpu.memory_space<smem>>, i32 -> i32
    %slice3A_80 = vector.extract_strided_slice %scan3A_23#1 {offsets = [0], sizes = [1], strides = [1]} : vector<16xi32> to vector<1xi32>
    %squeeze3A_81 = vector.extract %slice3A_80[0] : i32 from vector<1xi32>
    %slice3A_82 = vector.extract_strided_slice %scan3A_23#1 {offsets = [1], sizes = [1], strides = [1]} : vector<16xi32> to vector<1xi32>
    %squeeze3A_83 = vector.extract %slice3A_82[0] : i32 from vector<1xi32>
    %add3A_84 = arith.addi %squeeze3A_81, %squeeze3A_83 : i32
    %slice3A_85 = vector.extract_strided_slice %scan3A_23#1 {offsets = [2], sizes = [1], strides = [1]} : vector<16xi32> to vector<1xi32>
    %squeeze3A_86 = vector.extract %slice3A_85[0] : i32 from vector<1xi32>
    %add3A_87 = arith.addi %add3A_84, %squeeze3A_86 : i32
    %slice3A_88 = vector.extract_strided_slice %scan3A_23#1 {offsets = [3], sizes = [1], strides = [1]} : vector<16xi32> to vector<1xi32>
    %squeeze3A_89 = vector.extract %slice3A_88[0] : i32 from vector<1xi32>
    %add3A_90 = arith.addi %add3A_87, %squeeze3A_89 : i32
    %slice3A_91 = vector.extract_strided_slice %scan3A_23#1 {offsets = [4], sizes = [1], strides = [1]} : vector<16xi32> to vector<1xi32>
    %squeeze3A_92 = vector.extract %slice3A_91[0] : i32 from vector<1xi32>
    %add3A_93 = arith.addi %add3A_90, %squeeze3A_92 : i32
    %slice3A_94 = vector.extract_strided_slice %scan3A_23#1 {offsets = [5], sizes = [1], strides = [1]} : vector<16xi32> to vector<1xi32>
    %squeeze3A_95 = vector.extract %slice3A_94[0] : i32 from vector<1xi32>
    %add3A_96 = arith.addi %add3A_93, %squeeze3A_95 : i32
    %slice3A_97 = vector.extract_strided_slice %scan3A_23#1 {offsets = [6], sizes = [1], strides = [1]} : vector<16xi32> to vector<1xi32>
    %squeeze3A_98 = vector.extract %slice3A_97[0] : i32 from vector<1xi32>
    %add3A_99 = arith.addi %add3A_96, %squeeze3A_98 : i32
    %slice3A_100 = vector.extract_strided_slice %scan3A_23#1 {offsets = [7], sizes = [1], strides = [1]} : vector<16xi32> to vector<1xi32>
    %squeeze3A_101 = vector.extract %slice3A_100[0] : i32 from vector<1xi32>
    %add3A_102 = arith.addi %add3A_99, %squeeze3A_101 : i32
    %slice3A_103 = vector.extract_strided_slice %scan3A_23#1 {offsets = [8], sizes = [1], strides = [1]} : vector<16xi32> to vector<1xi32>
    %squeeze3A_104 = vector.extract %slice3A_103[0] : i32 from vector<1xi32>
    %add3A_105 = arith.addi %add3A_102, %squeeze3A_104 : i32
    %slice3A_106 = vector.extract_strided_slice %scan3A_23#1 {offsets = [9], sizes = [1], strides = [1]} : vector<16xi32> to vector<1xi32>
    %squeeze3A_107 = vector.extract %slice3A_106[0] : i32 from vector<1xi32>
    %add3A_108 = arith.addi %add3A_105, %squeeze3A_107 : i32
    %slice3A_109 = vector.extract_strided_slice %scan3A_23#1 {offsets = [10], sizes = [1], strides = [1]} : vector<16xi32> to vector<1xi32>
    %squeeze3A_110 = vector.extract %slice3A_109[0] : i32 from vector<1xi32>
    %add3A_111 = arith.addi %add3A_108, %squeeze3A_110 : i32
    %slice3A_112 = vector.extract_strided_slice %scan3A_23#1 {offsets = [11], sizes = [1], strides = [1]} : vector<16xi32> to vector<1xi32>
    %squeeze3A_113 = vector.extract %slice3A_112[0] : i32 from vector<1xi32>
    %add3A_114 = arith.addi %add3A_111, %squeeze3A_113 : i32
    %slice3A_115 = vector.extract_strided_slice %scan3A_23#1 {offsets = [12], sizes = [1], strides = [1]} : vector<16xi32> to vector<1xi32>
    %squeeze3A_116 = vector.extract %slice3A_115[0] : i32 from vector<1xi32>
    %add3A_117 = arith.addi %add3A_114, %squeeze3A_116 : i32
    %slice3A_118 = vector.extract_strided_slice %scan3A_23#1 {offsets = [13], sizes = [1], strides = [1]} : vector<16xi32> to vector<1xi32>
    %squeeze3A_119 = vector.extract %slice3A_118[0] : i32 from vector<1xi32>
    %add3A_120 = arith.addi %add3A_117, %squeeze3A_119 : i32
    %slice3A_121 = vector.extract_strided_slice %scan3A_23#1 {offsets = [14], sizes = [1], strides = [1]} : vector<16xi32> to vector<1xi32>
    %squeeze3A_122 = vector.extract %slice3A_121[0] : i32 from vector<1xi32>
    %add3A_123 = arith.addi %add3A_120, %squeeze3A_122 : i32
    %slice3A_124 = vector.extract_strided_slice %scan3A_23#1 {offsets = [15], sizes = [1], strides = [1]} : vector<16xi32> to vector<1xi32>
    %squeeze3A_125 = vector.extract %slice3A_124[0] : i32 from vector<1xi32>
    %add3A_126 = arith.addi %add3A_123, %squeeze3A_125 : i32
    %sc_fetch_and_add3A_127 = arith.constant 1 : i32
    %sc_fetch_and_add3A_128 = arith.constant 0 : i32
    %sc_fetch_and_add3A_129 = tpu.fetch_and_add_sync %arg8[%sc_fetch_and_add3A_127], %add3A_126, %sc_fetch_and_add3A_128 : memref<4xi32, #tpu.memory_space<smem>>, i32 -> i32
    %slice3A_130 = vector.extract_strided_slice %scan3A_23#2 {offsets = [0], sizes = [1], strides = [1]} : vector<16xi32> to vector<1xi32>
    %squeeze3A_131 = vector.extract %slice3A_130[0] : i32 from vector<1xi32>
    %slice3A_132 = vector.extract_strided_slice %scan3A_23#2 {offsets = [1], sizes = [1], strides = [1]} : vector<16xi32> to vector<1xi32>
    %squeeze3A_133 = vector.extract %slice3A_132[0] : i32 from vector<1xi32>
    %add3A_134 = arith.addi %squeeze3A_131, %squeeze3A_133 : i32
    %slice3A_135 = vector.extract_strided_slice %scan3A_23#2 {offsets = [2], sizes = [1], strides = [1]} : vector<16xi32> to vector<1xi32>
    %squeeze3A_136 = vector.extract %slice3A_135[0] : i32 from vector<1xi32>
    %add3A_137 = arith.addi %add3A_134, %squeeze3A_136 : i32
    %slice3A_138 = vector.extract_strided_slice %scan3A_23#2 {offsets = [3], sizes = [1], strides = [1]} : vector<16xi32> to vector<1xi32>
    %squeeze3A_139 = vector.extract %slice3A_138[0] : i32 from vector<1xi32>
    %add3A_140 = arith.addi %add3A_137, %squeeze3A_139 : i32
    %slice3A_141 = vector.extract_strided_slice %scan3A_23#2 {offsets = [4], sizes = [1], strides = [1]} : vector<16xi32> to vector<1xi32>
    %squeeze3A_142 = vector.extract %slice3A_141[0] : i32 from vector<1xi32>
    %add3A_143 = arith.addi %add3A_140, %squeeze3A_142 : i32
    %slice3A_144 = vector.extract_strided_slice %scan3A_23#2 {offsets = [5], sizes = [1], strides = [1]} : vector<16xi32> to vector<1xi32>
    %squeeze3A_145 = vector.extract %slice3A_144[0] : i32 from vector<1xi32>
    %add3A_146 = arith.addi %add3A_143, %squeeze3A_145 : i32
    %slice3A_147 = vector.extract_strided_slice %scan3A_23#2 {offsets = [6], sizes = [1], strides = [1]} : vector<16xi32> to vector<1xi32>
    %squeeze3A_148 = vector.extract %slice3A_147[0] : i32 from vector<1xi32>
    %add3A_149 = arith.addi %add3A_146, %squeeze3A_148 : i32
    %slice3A_150 = vector.extract_strided_slice %scan3A_23#2 {offsets = [7], sizes = [1], strides = [1]} : vector<16xi32> to vector<1xi32>
    %squeeze3A_151 = vector.extract %slice3A_150[0] : i32 from vector<1xi32>
    %add3A_152 = arith.addi %add3A_149, %squeeze3A_151 : i32
    %slice3A_153 = vector.extract_strided_slice %scan3A_23#2 {offsets = [8], sizes = [1], strides = [1]} : vector<16xi32> to vector<1xi32>
    %squeeze3A_154 = vector.extract %slice3A_153[0] : i32 from vector<1xi32>
    %add3A_155 = arith.addi %add3A_152, %squeeze3A_154 : i32
    %slice3A_156 = vector.extract_strided_slice %scan3A_23#2 {offsets = [9], sizes = [1], strides = [1]} : vector<16xi32> to vector<1xi32>
    %squeeze3A_157 = vector.extract %slice3A_156[0] : i32 from vector<1xi32>
    %add3A_158 = arith.addi %add3A_155, %squeeze3A_157 : i32
    %slice3A_159 = vector.extract_strided_slice %scan3A_23#2 {offsets = [10], sizes = [1], strides = [1]} : vector<16xi32> to vector<1xi32>
    %squeeze3A_160 = vector.extract %slice3A_159[0] : i32 from vector<1xi32>
    %add3A_161 = arith.addi %add3A_158, %squeeze3A_160 : i32
    %slice3A_162 = vector.extract_strided_slice %scan3A_23#2 {offsets = [11], sizes = [1], strides = [1]} : vector<16xi32> to vector<1xi32>
    %squeeze3A_163 = vector.extract %slice3A_162[0] : i32 from vector<1xi32>
    %add3A_164 = arith.addi %add3A_161, %squeeze3A_163 : i32
    %slice3A_165 = vector.extract_strided_slice %scan3A_23#2 {offsets = [12], sizes = [1], strides = [1]} : vector<16xi32> to vector<1xi32>
    %squeeze3A_166 = vector.extract %slice3A_165[0] : i32 from vector<1xi32>
    %add3A_167 = arith.addi %add3A_164, %squeeze3A_166 : i32
    %slice3A_168 = vector.extract_strided_slice %scan3A_23#2 {offsets = [13], sizes = [1], strides = [1]} : vector<16xi32> to vector<1xi32>
    %squeeze3A_169 = vector.extract %slice3A_168[0] : i32 from vector<1xi32>
    %add3A_170 = arith.addi %add3A_167, %squeeze3A_169 : i32
    %slice3A_171 = vector.extract_strided_slice %scan3A_23#2 {offsets = [14], sizes = [1], strides = [1]} : vector<16xi32> to vector<1xi32>
    %squeeze3A_172 = vector.extract %slice3A_171[0] : i32 from vector<1xi32>
    %add3A_173 = arith.addi %add3A_170, %squeeze3A_172 : i32
    %slice3A_174 = vector.extract_strided_slice %scan3A_23#2 {offsets = [15], sizes = [1], strides = [1]} : vector<16xi32> to vector<1xi32>
    %squeeze3A_175 = vector.extract %slice3A_174[0] : i32 from vector<1xi32>
    %add3A_176 = arith.addi %add3A_173, %squeeze3A_175 : i32
    %sc_fetch_and_add3A_177 = arith.constant 2 : i32
    %sc_fetch_and_add3A_178 = arith.constant 0 : i32
    %sc_fetch_and_add3A_179 = tpu.fetch_and_add_sync %arg8[%sc_fetch_and_add3A_177], %add3A_176, %sc_fetch_and_add3A_178 : memref<4xi32, #tpu.memory_space<smem>>, i32 -> i32
    %barrier3A_180 = arith.constant 0 : index
    tpu.barrier barrier_id(%barrier3A_180)
    %eq3A_181 = arith.constant 0 : i32
    %eq3A_182 = arith.cmpi eq, %arg1, %eq3A_181 : i32
    %convert_element_type3A_183 = arith.extui %eq3A_182 : i1 to i32
    %cond3A_184 = arith.constant 0 : i32
    %cond3A_185 = arith.cmpi ne, %convert_element_type3A_183, %cond3A_184 : i32
    scf.if %cond3A_185 {
      %get3A = arith.constant 0 : i32
      %get3A_186 = arith.index_cast %get3A : i32 to index
      %get3A_187 = memref.load %arg8[%get3A_186] : memref<4xi32, #tpu.memory_space<smem>>
      %get3A_188 = arith.constant 1 : i32
      %get3A_189 = arith.index_cast %get3A_188 : i32 to index
      %get3A_190 = memref.load %arg8[%get3A_189] : memref<4xi32, #tpu.memory_space<smem>>
      %get3A_191 = arith.constant 2 : i32
      %get3A_192 = arith.index_cast %get3A_191 : i32 to index
      %get3A_193 = memref.load %arg8[%get3A_192] : memref<4xi32, #tpu.memory_space<smem>>
      %iota3A = tpu.iota {dimensions = array<i32: 0>} : vector<16xi32>
      %eq3A_194 = arith.constant 0 : i32
      %eq3A_195 = vector.broadcast %eq3A_194 : i32 to vector<16xi32>
      %eq3A_196 = arith.cmpi eq, %iota3A, %eq3A_195 : vector<16xi32>
      %sub3A = arith.constant 20000 : i32
      %sub3A_197 = arith.subi %sub3A, %get3A_187 : i32
      %broadcast_in_dim3A_198 = vector.broadcast %sub3A_197 : i32 to vector<16xi32>
      %eq3A_199 = arith.constant 1 : i32
      %eq3A_200 = vector.broadcast %eq3A_199 : i32 to vector<16xi32>
      %eq3A_201 = arith.cmpi eq, %iota3A, %eq3A_200 : vector<16xi32>
      %sub3A_202 = arith.subi %get3A_187, %get3A_190 : i32
      %broadcast_in_dim3A_203 = vector.broadcast %sub3A_202 : i32 to vector<16xi32>
      %eq3A_204 = arith.constant 2 : i32
      %eq3A_205 = vector.broadcast %eq3A_204 : i32 to vector<16xi32>
      %eq3A_206 = arith.cmpi eq, %iota3A, %eq3A_205 : vector<16xi32>
      %sub3A_207 = arith.subi %get3A_190, %get3A_193 : i32
      %broadcast_in_dim3A_208 = vector.broadcast %sub3A_207 : i32 to vector<16xi32>
      %eq3A_209 = arith.constant 3 : i32
      %eq3A_210 = vector.broadcast %eq3A_209 : i32 to vector<16xi32>
      %eq3A_211 = arith.cmpi eq, %iota3A, %eq3A_210 : vector<16xi32>
      %broadcast_in_dim3A_212 = vector.broadcast %get3A_193 : i32 to vector<16xi32>
      %broadcast_in_dim3A_213 = arith.constant 0 : i32
      %broadcast_in_dim3A_214 = vector.broadcast %broadcast_in_dim3A_213 : i32 to vector<16xi32>
      %select_n3A = arith.select %eq3A_211, %broadcast_in_dim3A_212, %broadcast_in_dim3A_214 : vector<16xi1>, vector<16xi32>
      %select_n3A_215 = arith.select %eq3A_206, %broadcast_in_dim3A_208, %select_n3A : vector<16xi1>, vector<16xi32>
      %select_n3A_216 = arith.select %eq3A_201, %broadcast_in_dim3A_203, %select_n3A_215 : vector<16xi1>, vector<16xi32>
      %select_n3A_217 = arith.select %eq3A_196, %broadcast_in_dim3A_198, %select_n3A_216 : vector<16xi1>, vector<16xi32>
      %swap3A = arith.constant 0 : index
      %swap3A_218 = tpu.vector_load %arg7[%swap3A] {strides = array<i32>} : memref<16xi32, #tpu.memory_space<vmem>>, vector<16xi32>,
      %swap3A_219 = vector.shape_cast %swap3A_218 : vector<16xi32> to vector<16xi32>
      %swap3A_220 = vector.shape_cast %select_n3A_217 : vector<16xi32> to vector<16xi32>
      tpu.vector_store %arg7[%swap3A], %swap3A_220 {strides = array<i32>} : memref<16xi32, #tpu.memory_space<vmem>>, vector<16xi32>,
      "tpu.region"() ({
        %run_scoped3A = tpu.sem_alloc : memref<!tpu.dma_semaphore, #tpu.memory_space<semaphore_mem>>
        %dma_start3A_221 = arith.constant 0 : i32
        %dma_start3A_222 = tpu.memref_slice %arg7[%dma_start3A_221] : memref<16xi32, #tpu.memory_space<vmem>> -> memref<4xi32, #tpu.memory_space<vmem>>
        %dma_start3A_223 = arith.constant 0 : i32
        %dma_start3A_224 = tpu.memref_slice %arg7[%dma_start3A_223] : memref<16xi32, #tpu.memory_space<vmem>> -> memref<4xi32, #tpu.memory_space<vmem>>
        tpu.enqueue_dma source(%dma_start3A_224 : memref<4xi32, #tpu.memory_space<vmem>>) target(%arg4 : memref<4xi32, #tpu.memory_space<hbm>>) target_semaphore(%run_scoped3A : memref<!tpu.dma_semaphore, #tpu.memory_space<semaphore_mem>>)
        %dma_wait3A_225 = arith.constant 0 : i32
        %dma_wait3A_226 = tpu.memref_slice %arg7[%dma_wait3A_225] : memref<16xi32, #tpu.memory_space<vmem>> -> memref<4xi32, #tpu.memory_space<vmem>>
        %dma_wait3A_227 = arith.constant 0 : i32
        %dma_wait3A_228 = tpu.memref_slice %arg7[%dma_wait3A_227] : memref<16xi32, #tpu.memory_space<vmem>> -> memref<4xi32, #tpu.memory_space<vmem>>
        tpu.wait_dma2 semaphore(%run_scoped3A : memref<!tpu.dma_semaphore, #tpu.memory_space<semaphore_mem>>) src(%dma_wait3A_228 : memref<4xi32, #tpu.memory_space<vmem>>) dst(%arg4 : memref<4xi32, #tpu.memory_space<hbm>>)
        tpu.yield
      }) : () -> ()
    } else {
    }
    return
  }
}

</mosaic_0001>

<sc_bundles>
// kernel: kernel.3.cloned.1.call-start
scs
__scs_entry_jumppad:
0x0: {  	(pc) =	sbr.rel $0x88, $3  }
0x1: {  	(tag) =	ssettag $0x0;
	lr =	simm.s32 $0x1  }
0x2: {  	[smem:$0x3F9F] =	sst lr;
	_ =	strace $0xD0000000  }
0x3: {  	_ = 	snop  }
0x4: {  	_ = 	snop  }
0x5: {  	_ = 	snop  }
0x6: {  	_ = 	snop  }
0x7: {  	_ = 	snop  }
__scs_overlays_trampoline_lowered:
0x8: {  	[smem:$0x3FAE] =	sst s0  }
0x9: {  	[smem:$0x3FAF] =	sst s1  }
0xa: {  	[smem:$0x3FB0] =	sst s2  }
0xb: {  	[smem:$0x3FB1] =	sst s3  }
0xc: {  	[smem:$0x3FB2] =	sst s4  }
0xd: {  	[smem:$0x3FB3] =	sst s5  }
0xe: {  	[smem:$0x3FB4] =	sst s6  }
0xf: {  	[smem:$0x3FB5] =	sst s7  }
0x10: {  	[smem:$0x3FB6] =	sst s8  }
0x11: {  	[smem:$0x3FB7] =	sst s9;
	s0 =	simm.s32 @!p0 $0x0  }
0x12: {  	s1 =	sld [smem:$0x3F9D];
	s0 =	simm.s32 @p0 $0x1  }
0x13: {  	[smem:$0x3FB8] =	sst s0;
	s0 =	simm.s32 @!p1 $0x0  }
0x14: {  	s2 =	sld [smem:$0x3F9C];
	s0 =	simm.s32 @p1 $0x1  }
0x15: {  	[smem:$0x3FB9] =	sst s0;
	s0 =	simm.s32 @!p2 $0x0  }
0x16: {  	s3 =	sld [smem:$0x3FDB];
	s0 =	simm.s32 @p2 $0x1  }
0x17: {  	s4 =	simm.s32 $0x1BF5;
	[smem:$0x3FBB] =	sst s0  }
0x18: {  	s0 =	sld [smem:$0x3F9E];
	_ =	swait.ge [sflag:s4], $0x0  }
0x19: {  	s7 =	sld [smem:$0x3F9F]  }
0x1a: {  	s8 =	sadd.s32 $0xFFFFE003, lr  }
0x1b: {  	s9 =	sadd.s32 $0xFFFFFEF7, lr;
	s5 =	simm.s32 $0xFFFFFFFF;
	p2 =	slt.u32 s8, $0xFFFFF086  }
0x1c: {  	p1 =	slt.u32 s9, $0xF7A;
	s5 =	simm.s32 @!p2 $0x0  }
0x1d: {  	s5 =	simm.s32 @p1 $0x1;
	p0 =	seq.s32 s7, s2  }
0x1e: {  	s7 =	smul.u32 @!p0 $0xF7A, s2;
	p2 =	seq.s32 @!p0 s5, $0x0  }
0x1f: {  	s9 =	smul.u32 $0xF7A, s1;
	s8 =	simm.s32 @!p0 $0x1BF5;
	p2 =	por !p2, p0  }
0x20: {  	[sflag:s8] =	ssyncset.s32 @!p0 $0xFFFFF086;
	s6 =	sadd.s32 @!p0 s3, s7;
	s7 =	simm.s32 @!p0 $0x108  }
0x21: {  	s3 =	sadd.s32 s3, s9;
	s6 =	sadd.s32 @!p0 $0x88, s6;
	s7 =	simm.s32 @p2 $0x1082  }
0x22: {  	[simem:s7], [sflag:s8] =	dma.local @!p0 [hbm:s6], $0xF7A  }
0x23: {  	s9 =	sor.u32 $0xD0000000, s2;
	s6 =	simm.s32 $0x108;
	_ =	swait.ge @!p0 [sflag:s8], $0x0  }
0x24: {  	s3 =	sadd.s32 $0x88, s3;
	s6 =	simm.s32 @!p1 $0x1082;
	[sflag:s4] =	ssyncset.s32 $0xFFFFF086  }
0x25: {  	[simem:s6], [sflag:s4] =	dma.local [hbm:s3], $0xF7A  }
0x26: {  	[smem:$0x3F9F] =	sst s1;
	(tag) =	ssettag s2;
	_ =	strace s9  }
0x27: {  	s1 =	sld [smem:$0x3FAF]  }
0x28: {  	s2 =	sld [smem:$0x3FB0]  }
0x29: {  	s4 =	sld [smem:$0x3FB2]  }
0x2a: {  	p0 =	seq.s32 s5, $0x0;
	s5 =	sld [smem:$0x3FB3]  }
0x2b: {  	s6 =	sld [smem:$0x3FB4]  }
0x2c: {  	s7 =	sld [smem:$0x3FB5]  }
0x2d: {  	s3 =	simm.s32 $0x108;
	s8 =	sld [smem:$0x3FB6]  }
0x2e: {  	s3 =	simm.s32 @!p0 $0x1082;
	s9 =	sld [smem:$0x3FB7]  }
0x2f: {  	lr =	sadd.s32 s0, s3;
	s0 =	sld [smem:$0x3FAE]  }
0x30: {  	s3 =	sld [smem:$0x3FB1]  }
0x31: {  	[smem:$0x3FBA] =	sst s10  }
0x32: {  	s10 =	sld [smem:$0x3FB8];
	_ =	sdelay $0x3  }
0x33: {  	p0 =	seq.s32 s10, $0x1;
	s10 =	sld [smem:$0x3FBA];
	_ =	sdelay $0x3  }
0x34: {  	[smem:$0x3FBA] =	sst s10  }
0x35: {  	s10 =	sld [smem:$0x3FB9];
	_ =	sdelay $0x3  }
0x36: {  	p1 =	seq.s32 s10, $0x1;
	s10 =	sld [smem:$0x3FBA];
	_ =	sdelay $0x3  }
0x37: {  	[smem:$0x3FBA] =	sst s10  }
0x38: {  	s10 =	sld [smem:$0x3FBB]  }
0x39: {  	_ = 	snop;
	(pc) =	sbr.ind lr, $3  }
0x3a: {  	_ = 	snop  }
0x3b: {  	_ = 	snop  }
0x3c: {  	p2 =	seq.s32 s10, $0x1;
	s10 =	sld [smem:$0x3FBA]  }
0x3d: {  	_ =	shalt  }
0x3e: {  	_ =	shalt  }
0x3f: {  	_ =	shalt  }
0x40: {  	_ =	shalt  }
0x41: {  	_ =	shalt  }
0x42: {  	_ =	shalt  }
0x43: {  	_ =	shalt  }
0x44: {  	_ =	shalt  }
0x45: {  	_ =	shalt  }
0x46: {  	_ =	shalt  }
0x47: {  	_ =	shalt  }
0x48: {  	_ =	shalt  }
0x49: {  	_ =	shalt  }
0x4a: {  	_ =	shalt  }
0x4b: {  	_ =	shalt  }
0x4c: {  	_ =	shalt  }
0x4d: {  	_ =	shalt  }
0x4e: {  	_ =	shalt  }
0x4f: {  	_ =	shalt  }
0x50: {  	_ =	shalt  }
0x51: {  	_ =	shalt  }
0x52: {  	_ =	shalt  }
0x53: {  	_ =	shalt  }
0x54: {  	_ =	shalt  }
0x55: {  	_ =	shalt  }
0x56: {  	_ =	shalt  }
0x57: {  	_ =	shalt  }
0x58: {  	_ =	shalt  }
0x59: {  	_ =	shalt  }
0x5a: {  	_ =	shalt  }
0x5b: {  	_ =	shalt  }
0x5c: {  	_ =	shalt  }
0x5d: {  	_ =	shalt  }
0x5e: {  	_ =	shalt  }
0x5f: {  	_ =	shalt  }
0x60: {  	_ =	shalt  }
0x61: {  	_ =	shalt  }
0x62: {  	_ =	shalt  }
0x63: {  	_ =	shalt  }
0x64: {  	_ =	shalt  }
0x65: {  	_ =	shalt  }
0x66: {  	_ =	shalt  }
0x67: {  	_ =	shalt  }
0x68: {  	_ =	shalt  }
0x69: {  	_ =	shalt  }
0x6a: {  	_ =	shalt  }
0x6b: {  	_ =	shalt  }
0x6c: {  	_ =	shalt  }
0x6d: {  	_ =	shalt  }
0x6e: {  	_ =	shalt  }
0x6f: {  	_ =	shalt  }
0x70: {  	_ =	shalt  }
0x71: {  	_ =	shalt  }
0x72: {  	_ =	shalt  }
0x73: {  	_ =	shalt  }
0x74: {  	_ =	shalt  }
0x75: {  	_ =	shalt  }
0x76: {  	_ =	shalt  }
0x77: {  	_ =	shalt  }
0x78: {  	_ =	shalt  }
0x79: {  	_ =	shalt  }
0x7a: {  	_ =	shalt  }
0x7b: {  	_ =	shalt  }
0x7c: {  	_ =	shalt  }
0x7d: {  	_ =	shalt  }
0x7e: {  	_ =	shalt  }
0x7f: {  	_ =	shalt  }
0x80: {  	_ =	shalt  }
0x81: {  	_ =	shalt  }
0x82: {  	_ =	shalt  }
0x83: {  	_ =	shalt  }
0x84: {  	_ =	shalt  }
0x85: {  	_ =	shalt  }
0x86: {  	_ =	shalt  }
0x87: {  	_ =	shalt  }
.Lfunc_end0:
.L_simem_size_0:
called_computation_lowered:
.L_overlay_start_0:
0x88: {  	s0 =	sld [smem:$0x3FD9]  }
0x89: {  	s1 =	sld [smem:$0x3FFE];
	_ =	sdelay $0x3  }
0x8a: {  	s0 =	sadd.s32 s1, s0  }
0x8b: {  	[smem:$0x3FC6] =	sst s0  }
0x8c: {  	_ = 	snop  }
0x8d: {  	s0 =	sld [smem:$0x3FD0];
	_ =	sdelay $0x2  }
0x8e: {  	s13 =	simm.s32 $0xA;
	s2 =	simm.s32 $0x10  }
0x8f: {  	[smem:s2], [sflag:s13] =	dma.local [hbm:s0], $0x1  }
0x90: {  	_ =	swait.eq [sflag:s13], $0x1  }
0x91: {  	[sflag:s13] =	ssyncset.done $0x0  }
0x92: {  	s14 =	sld [smem:$0x10];
	[sflag:s13] =	ssyncadd.s32 $0xFFFFFFFF  }
0x93: {  	s15 =	sld [smem:$0x11];
	(tm) =	ssettm $0x1  }
0x94: {  	s16 =	sld [smem:$0x3FFB];
	_ =	sdelay $0x3  }
0x95: {  	_ =	strace s16  }
0x96: {  	s2 =	sld [smem:$0x3FFC];
	_ =	sdelay $0x3  }
0x97: {  	_ =	strace s2  }
0x98: {  	s2 =	sld [smem:$0x3FFD];
	_ =	sdelay $0x3  }
0x99: {  	_ =	strace s2  }
0x9a: {  	_ =	strace $0x8FFFFFFF  }
0x9b: {  	s17 =	sld [smem:$0x3FDB];
	_ =	sdelay $0x1  }
0x9c: {  	s3 =	simm.s32 $_scs_section_size  }
0x9d: {  	s4 =	simm.s32 $_size__tile_overlayer_lowered;
	s5 =	simm.s32 $_tile_overlayer_lowered  }
0x9e: {  	s20 =	simm.s32 $0x1BFF;
	s19 =	sshll.u32 s5, $0x1;
	s2 =	sadd.s32 s3, s17  }
0x9f: {  	s6 =	simm.s32 $0x0;
	s18 =	sshll.u32 s4, $0x1;
	s4 =	sadd.s32 s19, s2  }
0xa0: {  	[timem:s6], [sflag:s20] =	dma.local [hbm:s4], s18  }
0xa1: {  	_ =	swait.ge [sflag:s20], s18  }
0xa2: {  	s3 =	ssub.s32 $0x0, s18;
	[sflag:s20] =	ssyncset.done $0x0  }
0xa3: {  	[sflag:s20] =	ssyncadd.s32 s3;
	_ =	sdelay $0x1  }
0xa4: {  	s21 =	simm.s32 $0x1B8B  }
0xa5: {  	_ =	swait.ge [sflag:s21], $0x1  }
0xa6: {  	[sflag:s21] =	ssyncset.done $0x0  }
0xa7: {  	s23 =	simm.s32 $0x1B8E;
	s22 =	sld [smem:$0x3FFE];
	[sflag:s21] =	ssyncadd.s32 $0xFFFFFFFF  }
0xa8: {  	s24 =	simm.s32 $execute0_lowered;
	[smem:$0x3FD2] =	sst s23  }
0xa9: {  	s4 =	sshll.u32 s24, $0x1;
	_ =	strace $0x80000046;
	[dreg:$0x1] =	wrdreg $0xFFFFFFFF  }
0xaa: {  	s25 =	simm.s32 $_size_execute0_lowered;
	s2 =	sadd.s32 s2, s4;
	[dreg:$0x0] =	wrdreg $0x0  }
0xab: {  	s4 =	sshll.u32 s25, $0x1;
	[dreg:$0x2] =	wrdreg s2  }
0xac: {  	[dreg:$0x3] =	wrdreg s4  }
0xad: {  	[dreg:$0x4] =	wrdreg $0xC0  }
0xae: {  	_ =	task [dreg:s6], $0x5FFFF  }
0xaf: {  	[dreg:$0x1] =	wrdreg $0xFFFFFFFF  }
0xb0: {  	[dreg:$0x0] =	wrdreg $0x60  }
0xb1: {  	[dreg:$0x2] =	wrdreg s22  }
0xb2: {  	[dreg:$0x3] =	wrdreg s14  }
0xb3: {  	[dreg:$0x4] =	wrdreg s15  }
0xb4: {  	[dreg:$0x5] =	wrdreg $0x9  }
0xb5: {  	_ =	task.clear_ibuf [dreg:s6], $0x6FFFF;
	_ =	strace $0x90000046  }
0xb6: {  	s26 =	simm.s32 $0x9;
	_ =	strace $0x80000048  }
0xb7: {  	_ =	swait.ge [sflag:s26], $0x1  }
0xb8: {  	[sflag:s26] =	ssyncadd.s32 $0xFFFFFFFF  }
0xb9: {  	_ =	strace $0x90000048  }
0xba: {  	_ =	sfence  }
0xbb: {  	s28 =	sld [smem:$0x0];
	_ =	sdelay $0x1  }
0xbc: {  	s29 =	srdreg.scid  }
0xbd: {  	s30 =	sshll.u32 s29, $0xD;
	s31 =	sshrl.u32 s29, $0x2  }
0xbe: {  	s1 =	sand.u32 $0x1, s29;
	s2 =	sand.u32 $0x4000, s30;
	s0 =	sadd.s32 s31, s28  }
0xbf: {  	s1 =	sor.u32 s2, s1;
	s0 =	sshll.u32 s0, $0x11  }
0xc0: {  	s0 =	sor.u32 s0, s1  }
0xc1: {  	s0 =	sadd.s32 $0x8F2B, s0  }
0xc2: {  	[sflag:s0] =	ssyncadd.remote.s32 $0x1  }
0xc3: {  	_ =	sfence.sel $0xFFFF  }
0xc4: {  	[dreg:$0x0] =	wrdreg $0xFFFFFFFF;
	(pc) =	sbr.abs _section_cstart, $3  }
0xc5: {  	[dreg:$0x1] =	wrdreg $0xFFFFFFFF  }
0xc6: {  	_ =	task.clear_ibuf [dreg:s6], $0x2FFFF;
	_ =	strace $0x9FFFFFFF  }
0xc7: {  	(tm) =	ssettm $0x7FFFFFFF  }
tec
execute0_lowered:
.L_overlay_start_1:
0x0: {  	(tag) =	ssettag $0x1  }
0x1: {  	s3 =	rddreg [dreg:$0x0]  }
0x2: {  	s5 =	rddreg [dreg:$0x1];
	s2 =	stileid.u32  }
0x3: {  	s1 =	rddreg [dreg:$0x2];
	s6 =	smul.u32 $0x280, s2  }
0x4: {  	s0 =	rddreg [dreg:$0x3];
	s4 =	simm.s32 $0x0  }
0x5: {  	[smem:$0x7FF] =	sst s4;
	s3 =	sadd.s32 s6, s3  }
0x6: {  	p0 =	sne.s32 s2, $0x0;
	_ =	strace $0x80000047;
	s3 =	sadd.s32 $0x600, s3  }
0x7: {  	[tilespmem:s4], [sflag:$0x1] =	stream.linear.gather [hbm4b:s3+s4], $0x1400, $0x38;
	[tilespmem:$0x1980] =	vst v63  }
0x8: {  	s3 =	simm.s32 @!p0 $0x0  }
0x9: {  	[smem:$0x0] =	sst @!p0 s3  }
0xa: {  	[smem:$0x1] =	sst @!p0 s3  }
0xb: {  	[smem:$0x2] =	sst @!p0 s3  }
0xc: {  	s30 =	simm.s32 $0x1;
	[bflag:$0x0] =	sbarrier.arrive $0xFFFF  }
0xd: {  	_ =	swait.ge [sflag:s30], $0x1400  }
0xe: {  	s7 =	sand.u32 $0x70, s4;
	s8 =	sand.u32 $0x1E00, s4;
	[sflag:s30] =	ssyncset.done $0x0  }
0xf: {  	s31 =	smul.u32 $0xA0, s2;
	s8 =	sor.u32 s7, s8;
	[sflag:s30] =	ssyncadd.s32 $0xFFFFEC00  }
0x10: {  	v2 =	vimm.s32 $0x0;
	v4 =	vimm.s32 $0x2;
	s7 =	simm.s32 $0x10;
	v5 =	vld [tilespmem:s8+$0x180]  }
0x11: {  	v3 =	vimm.s32 $0x0;
	v1 =	vimm.s32 $0x0;
	v0 =	vimm.s32 $0x0;
	s6 =	simm.s32 $0x0;
	s3 =	sadd.s32 s5, s31;
	s5 =	sadd.s32 $0x960, s5;
	v6 =	vld [tilespmem:s8+$0x80]  }
.LBB2_1:
0x12: {  	p1 =	sne.s32 s7, $0x4F0;
	v7 =	vld [tilespmem:s8+$0x100]  }
0x13: {  	v8 =	vld [tilespmem:s8+$0x0];
	_ =	sdelay $0x4  }
0x14: {  	v5 =	vsub.f32 v5, v6;
	v7 =	vsub.f32 v7, v8;
	_ =	sdelay $0x1  }
0x15: {  	v5 =	vmul.f32 v5, v7;
	_ =	sdelay $0x1  }
0x16: {  	vm0 =	vge.f32 v5, $6.271999510e+03;
	vm1 =	vge.f32 v5, $2.508799020e+04  }
0x17: {  	v6 =	vsel vm1, $0x1, v2;
	vm1 =	vge.f32 v5, $1.003520310e+05;
	v5 =	vsel vm0, $0x3, v4  }
.Ltmp0:
0x18: {  	s4 =	sadd.s32 $0x40, s4;
	v7 =	vsel vm0, $0x1, v2;
	v8 =	vsel vm1, $0x1, v2;
	v5 =	vadd.s32 v6, v5;
	(pc) =	sbr.rel @p1 .LBB2_1-.Ltmp0, $4  }
0x19: {  	s6 =	sshra.s32 s6, $0x2;
	s8 =	sand.u32 $0x70, s7;
	s9 =	sand.u32 $0x1E00, s4;
	v3 =	vadd.s32 v7, v3;
	v1 =	vadd.s32 v6, v1;
	v5 =	vadd.s32 v8, v5  }
0x1a: {  	s8 =	sor.u32 s8, s9;
	v0 =	vadd.s32 v8, v0;
	[tilespmem:s6+$0x1400] =	vst v5;
	s6 =	smov.u32 s4  }
0x1b: {  	v5 =	vld [tilespmem:s8+$0x180]  }
0x1c: {  	s7 =	sadd.s32 $0x10, s7;
	v6 =	vld [tilespmem:s8+$0x80]  }
0x1d: {  	v7 =	vld [tilespmem:s8+$0x100]  }
0x1e: {  	v8 =	vld [tilespmem:s8+$0x0];
	_ =	sdelay $0x4  }
0x1f: {  	v5 =	vsub.f32 v5, v6;
	v7 =	vsub.f32 v7, v8;
	_ =	sdelay $0x1  }
0x20: {  	v5 =	vmul.f32 v5, v7;
	_ =	sdelay $0x1  }
0x21: {  	vm0 =	vge.f32 v5, $6.271999510e+03;
	vm1 =	vge.f32 v5, $2.508799020e+04  }
0x22: {  	vm15 =	vge.f32 v5, $1.003520310e+05;
	v62 =	vsel vm1, $0x1, v2;
	v4 =	vsel vm0, $0x3, v4  }
0x23: {  	v5 =	vsel vm15, $0x1, v2;
	v4 =	vadd.s32 v62, v4  }
0x24: {  	s4 =	sshra.s32 s6, $0x2;
	p1 =	seq.s32 s2, $0xF;
	v4 =	vadd.s32 v5, v4  }
0x25: {  	s2 =	simm.s32 @p1 $0x0;
	[tilespmem:s4+$0x1400] =	vst v4;
	s4 =	simm.s32 @p1 $0x1400  }
0x26: {  	[hbm4b:s5+s2] =	stream.linear.scatter @p1 [tilespmem:s4], [sflag:$0x5], $0x320, $0x38;
	[tilespmem:$0x1980] =	vst v63  }
0x27: {  	s2 =	simm.s32 @p1 $0x5  }
0x28: {  	_ =	swait.ge @p1 [sflag:s2], $0x320  }
0x29: {  	[sflag:s2] =	ssyncset.done @p1 $0x0  }
0x2a: {  	s4 =	simm.s32 @!p1 $0x1400;
	[sflag:s2] =	ssyncadd.s32 @p1 $0xFFFFFCE0;
	s2 =	simm.s32 @!p1 $0x0  }
0x2b: {  	[hbm4b:s3+s2] =	stream.linear.scatter @!p1 [tilespmem:s4], [sflag:$0x5], $0x500, $0x38;
	[tilespmem:$0x1980] =	vst v63  }
0x2c: {  	v63 =	vsel vm0, $0x1, v2;
	s2 =	simm.s32 @!p1 $0x5  }
0x2d: {  	v2 =	vadd.s32 v63, v3;
	_ =	swait.ge @!p1 [sflag:s2], $0x500  }
0x2e: {  	(v2sf) =	vpush v2, $0x0  }
0x2f: {  	(v2sf) =	vpush v2, $0x1  }
0x30: {  	(v2sf) =	vpush v2, $0x2  }
0x31: {  	(v2sf) =	vpush v2, $0x3  }
0x32: {  	(v2sf) =	vpush v2, $0x4  }
0x33: {  	(v2sf) =	vpush v2, $0x5  }
0x34: {  	(v2sf) =	vpush v2, $0x6  }
0x35: {  	(v2sf) =	vpush v2, $0x7  }
0x36: {  	(v2sf) =	vpush v2, $0x8  }
0x37: {  	(v2sf) =	vpush v2, $0x9  }
0x38: {  	(v2sf) =	vpush v2, $0xA  }
0x39: {  	(v2sf) =	vpush v2, $0xB  }
0x3a: {  	(v2sf) =	vpush v2, $0xC  }
0x3b: {  	(v2sf) =	vpush v2, $0xD  }
0x3c: {  	(v2sf) =	vpush v2, $0xE  }
0x3d: {  	s4 =	spop (v2sf);
	(v2sf) =	vpush v2, $0xF  }
0x3e: {  	s5 =	spop (v2sf)  }
0x3f: {  	s3 =	sadd.s32 s5, s4;
	s6 =	spop (v2sf)  }
0x40: {  	s3 =	sadd.s32 s6, s3;
	s7 =	spop (v2sf)  }
0x41: {  	s3 =	sadd.s32 s7, s3;
	s8 =	spop (v2sf)  }
0x42: {  	s3 =	sadd.s32 s8, s3;
	s9 =	spop (v2sf)  }
0x43: {  	s3 =	sadd.s32 s9, s3;
	s10 =	spop (v2sf)  }
0x44: {  	s3 =	sadd.s32 s10, s3;
	s11 =	spop (v2sf)  }
0x45: {  	s3 =	sadd.s32 s11, s3;
	s12 =	spop (v2sf)  }
0x46: {  	s3 =	sadd.s32 s12, s3;
	s13 =	spop (v2sf)  }
0x47: {  	s3 =	sadd.s32 s13, s3;
	s14 =	spop (v2sf)  }
0x48: {  	s3 =	sadd.s32 s14, s3;
	s15 =	spop (v2sf)  }
0x49: {  	s3 =	sadd.s32 s15, s3;
	s16 =	spop (v2sf)  }
0x4a: {  	[sflag:s2] =	ssyncset.done @!p1 $0x0;
	s3 =	sadd.s32 s16, s3;
	s17 =	spop (v2sf)  }
0x4b: {  	[sflag:s2] =	ssyncadd.s32 @!p1 $0xFFFFFB00;
	s18 =	sadd.s32 s17, s3;
	s19 =	spop (v2sf)  }
0x4c: {  	s2 =	simm.s32 $0x2;
	s3 =	sadd.s32 s19, s18;
	s20 =	spop (v2sf)  }
0x4d: {  	s21 =	simm.s32 $0x0;
	[sflag:s2] =	ssyncset.done $0x0;
	s3 =	sadd.s32 s20, s3  }
0x4e: {  	[smem:s21], [sflag:$0x2] =	smem.add.s32 s3  }
0x4f: {  	v1 =	vadd.s32 v62, v1;
	_ =	swait.done [sflag:s2]  }
0x50: {  	(v2sf) =	vpush v1, $0x0  }
0x51: {  	(v2sf) =	vpush v1, $0x1  }
0x52: {  	(v2sf) =	vpush v1, $0x2  }
0x53: {  	(v2sf) =	vpush v1, $0x3  }
0x54: {  	(v2sf) =	vpush v1, $0x4  }
0x55: {  	(v2sf) =	vpush v1, $0x5  }
0x56: {  	(v2sf) =	vpush v1, $0x6  }
0x57: {  	(v2sf) =	vpush v1, $0x7  }
0x58: {  	(v2sf) =	vpush v1, $0x8  }
0x59: {  	(v2sf) =	vpush v1, $0x9  }
0x5a: {  	(v2sf) =	vpush v1, $0xA  }
0x5b: {  	(v2sf) =	vpush v1, $0xB  }
0x5c: {  	(v2sf) =	vpush v1, $0xC  }
0x5d: {  	(v2sf) =	vpush v1, $0xD  }
0x5e: {  	(v2sf) =	vpush v1, $0xE  }
0x5f: {  	s22 =	spop (v2sf);
	(v2sf) =	vpush v1, $0xF  }
0x60: {  	s23 =	spop (v2sf)  }
0x61: {  	s3 =	sadd.s32 s23, s22;
	s24 =	spop (v2sf)  }
0x62: {  	s3 =	sadd.s32 s24, s3;
	s25 =	spop (v2sf)  }
0x63: {  	s3 =	sadd.s32 s25, s3;
	s26 =	spop (v2sf)  }
0x64: {  	s3 =	sadd.s32 s26, s3;
	s28 =	spop (v2sf)  }
0x65: {  	s3 =	sadd.s32 s28, s3;
	s29 =	spop (v2sf)  }
0x66: {  	s3 =	sadd.s32 s29, s3;
	s30 =	spop (v2sf)  }
0x67: {  	s3 =	sadd.s32 s30, s3;
	s31 =	spop (v2sf)  }
0x68: {  	s3 =	sadd.s32 s31, s3;
	s5 =	spop (v2sf)  }
0x69: {  	s3 =	sadd.s32 s5, s3;
	s6 =	spop (v2sf)  }
0x6a: {  	s3 =	sadd.s32 s6, s3;
	s7 =	spop (v2sf)  }
0x6b: {  	s3 =	sadd.s32 s7, s3;
	s8 =	spop (v2sf)  }
0x6c: {  	s12 =	simm.s32 $0x3;
	s3 =	sadd.s32 s8, s3;
	s9 =	spop (v2sf)  }
0x6d: {  	[sflag:s2] =	ssyncset.s32 $0x0;
	s3 =	sadd.s32 s9, s3;
	s10 =	spop (v2sf)  }
0x6e: {  	[sflag:s2] =	ssyncset.done $0x0;
	s3 =	sadd.s32 s10, s3;
	s11 =	spop (v2sf)  }
0x6f: {  	s13 =	simm.s32 $0x1;
	[sflag:s12] =	ssyncset.done $0x0;
	s3 =	sadd.s32 s11, s3  }
0x70: {  	[smem:s13], [sflag:$0x3] =	smem.add.s32 s3  }
0x71: {  	v0 =	vadd.s32 v5, v0;
	_ =	swait.done [sflag:s12]  }
0x72: {  	(v2sf) =	vpush v0, $0x0  }
0x73: {  	(v2sf) =	vpush v0, $0x1  }
0x74: {  	(v2sf) =	vpush v0, $0x2  }
0x75: {  	(v2sf) =	vpush v0, $0x3  }
0x76: {  	(v2sf) =	vpush v0, $0x4  }
0x77: {  	(v2sf) =	vpush v0, $0x5  }
0x78: {  	(v2sf) =	vpush v0, $0x6  }
0x79: {  	(v2sf) =	vpush v0, $0x7  }
0x7a: {  	(v2sf) =	vpush v0, $0x8  }
0x7b: {  	(v2sf) =	vpush v0, $0x9  }
0x7c: {  	(v2sf) =	vpush v0, $0xA  }
0x7d: {  	(v2sf) =	vpush v0, $0xB  }
0x7e: {  	(v2sf) =	vpush v0, $0xC  }
0x7f: {  	(v2sf) =	vpush v0, $0xD  }
0x80: {  	(v2sf) =	vpush v0, $0xE  }
0x81: {  	s14 =	spop (v2sf);
	(v2sf) =	vpush v0, $0xF  }
0x82: {  	s15 =	spop (v2sf)  }
0x83: {  	s16 =	spop (v2sf);
	s3 =	sadd.s32 s15, s14  }
0x84: {  	s17 =	spop (v2sf);
	s3 =	sadd.s32 s16, s3  }
0x85: {  	s18 =	spop (v2sf);
	s3 =	sadd.s32 s17, s3  }
0x86: {  	s19 =	spop (v2sf);
	s3 =	sadd.s32 s18, s3  }
0x87: {  	s20 =	spop (v2sf);
	s3 =	sadd.s32 s19, s3  }
0x88: {  	s21 =	spop (v2sf);
	s3 =	sadd.s32 s20, s3  }
0x89: {  	s22 =	spop (v2sf);
	s3 =	sadd.s32 s21, s3  }
0x8a: {  	s23 =	spop (v2sf);
	s3 =	sadd.s32 s22, s3  }
0x8b: {  	s24 =	spop (v2sf);
	s3 =	sadd.s32 s23, s3  }
0x8c: {  	s25 =	spop (v2sf);
	s3 =	sadd.s32 s24, s3  }
0x8d: {  	s26 =	spop (v2sf);
	s3 =	sadd.s32 s25, s3  }
0x8e: {  	s31 =	simm.s32 $0x4;
	s28 =	spop (v2sf);
	s3 =	sadd.s32 s26, s3  }
0x8f: {  	[sflag:s12] =	ssyncset.s32 $0x0;
	s29 =	spop (v2sf);
	s3 =	sadd.s32 s28, s3  }
0x90: {  	[sflag:s12] =	ssyncset.done $0x0;
	s3 =	sadd.s32 s29, s3;
	s30 =	spop (v2sf)  }
0x91: {  	[sflag:s31] =	ssyncset.done $0x0;
	s3 =	sadd.s32 s30, s3  }
0x92: {  	[smem:s2], [sflag:$0x4] =	smem.add.s32 s3  }
0x93: {  	_ =	swait.done [sflag:s31]  }
0x94: {  	[sflag:s31] =	ssyncset.s32 $0x0  }
0x95: {  	[sflag:s31] =	ssyncset.done $0x0  }
0x96: {  	[bflag:$0x0] =	sbarrier.arrive $0xFFFF  }
0x97: {  	_ =	sfence.sel @p0 $0x180000  }
0x98: {  	[bflag:$0x0] =	sbarrier.arrive @p0 $0xFFFF  }
0x99: {  	_ =	strace @p0 $0x90000047  }
0x9a: {  	[bflag:$0x2] =	sbarrier.arrive @p0 $0xFFFF  }
0x9b: {  	s2 =	sld @!p0 [smem:$0x0];
	_ =	sdelay $0x1  }
0x9c: {  	s3 =	sld @!p0 [smem:$0x1]  }
0x9d: {  	s4 =	sld @!p0 [smem:$0x2];
	s5 =	ssub.s32 @!p0 $0x4E20, s2  }
0x9e: {  	vm0 =	vcmask @!p0 $0x300;
	v0 =	vmov @!p0 s5  }
0x9f: {  	s2 =	ssub.s32 @!p0 s2, s3;
	v0 =	vnsel @!p0 vm0, $0x0, v0;
	vm0 =	vcmask @!p0 $0x704  }
0xa0: {  	s3 =	ssub.s32 @!p0 s3, s4;
	v0 =	vsel @!p0 vm0, s2, v0;
	vm0 =	vcmask @!p0 $0xB08  }
0xa1: {  	v0 =	vsel @!p0 vm0, s3, v0;
	vm0 =	vcmask @!p0 $0xF0C  }
0xa2: {  	v0 =	vsel @!p0 vm0, s4, v0  }
0xa3: {  	s2 =	simm.s32 @!p0 $0x0;
	s3 =	simm.s32 @!p0 $0x1900;
	[tilespmem:$0x1900] =	vst @!p0 v0  }
0xa4: {  	[hbm4b:s1+s2] =	stream.linear.scatter @!p0 [tilespmem:s3], [sflag:$0x5], $0x4, $0x38;
	[tilespmem:$0x1980] =	vst v63  }
0xa5: {  	s1 =	simm.s32 @!p0 $0x5  }
0xa6: {  	_ =	swait.ge @!p0 [sflag:s1], $0x4  }
0xa7: {  	[sflag:s1] =	ssyncset.done @!p0 $0x0  }
0xa8: {  	[sflag:s1] =	ssyncadd.s32 @!p0 $0xFFFFFFFC  }
0xa9: {  	_ =	sfence.sel @!p0 $0x180000  }
0xaa: {  	[bflag:$0x0] =	sbarrier.arrive @!p0 $0xFFFF  }
0xab: {  	_ =	strace @!p0 $0x90000047  }
0xac: {  	s0 =	sadd.s32 @!p0 $0x100000, s0;
	[bflag:$0x2] =	sbarrier.arrive @!p0 $0xFFFF  }
0xad: {  	[sflag:s0] =	ssyncadd.tile.s32 @!p0 $0x1;
	_ =	shalt  }
.Lfunc_end2:
_tile_overlayer_lowered:
.L_overlay_start_2:
0xae: {  	(tag) =	ssettag $0x2  }
0xaf: {  	s0 =	rddreg [dreg:$0x0];
	s2 =	stileid.u32  }
0xb0: {  	s1 =	rddreg [dreg:$0x1];
	p0 =	sne.s32 s2, $0x0  }
0xb1: {  	s3 =	rddreg [dreg:$0x2];
	[bflag:$0x3] =	sbarrier.arrive $0xFFFF;
	s2 =	simm.s32 @!p0 $0x1C02  }
0xb2: {  	[timem:s3], [sflag:s2] =	dma.local @!p0 [hbm:s0], s1  }
0xb3: {  	s0 =	simm.s32 @!p0 $0x2  }
0xb4: {  	_ =	swait.ge @!p0 [sflag:s0], s1  }
0xb5: {  	s1 =	ssub.s32 @!p0 $0x0, s1;
	[sflag:s0] =	ssyncset.done @!p0 $0x0  }
0xb6: {  	[sflag:s0] =	ssyncadd.s32 @!p0 s1  }
0xb7: {  	[bflag:$0x3] =	sbarrier.arrive $0xFFFF  }
0xb8: {  	_ =	shalt  }

</sc_bundles>
